<compile_context>
chip_gen: v7x
topology: tpu7x:2x2x1
jax: 0.10.2.dev20260603
libtpu: 0.0.44.dev20260713+nightly
codegen_flags: <defaults>
</compile_context>

<pallas_src>
import functools

import jax
import jax.numpy as jnp
from jax import lax
from jax.experimental import pallas as pl
from jax.experimental.pallas import tpu as pltpu
from jax.experimental.pallas import tpu_sc as plsc

_NC = 2
_NS = 16
_LANES = 16
_NW = _NC * _NS
_BATCH = 25


def _rowsum_body(h_ref, o_ref):
    o_ref[...] = jnp.sum(h_ref[...], axis=1)


def _make_gather(n_nodes: int, n_edges: int):
    per_w = n_edges // _NW
    steps = per_w // _LANES
    outer = steps // _BATCH
    assert steps % _BATCH == 0
    pad = max((w * per_w) % 128 for w in range(_NW))
    assert ((_NW - 1) * per_w) % 128 == pad
    win = per_w + pad

    @functools.partial(
        pl.kernel,
        out_type=jax.ShapeDtypeStruct((n_edges,), jnp.float32),
        mesh=plsc.VectorSubcoreMesh(core_axis_name="c", subcore_axis_name="s"),
        compiler_params=pltpu.CompilerParams(needs_layout_passes=False),
        scratch_types=[
            pltpu.VMEM((win,), jnp.int32),
            pltpu.VMEM((n_nodes,), jnp.float32),
            pltpu.VMEM((per_w,), jnp.float32),
            pltpu.SemaphoreType.DMA,
            pltpu.SemaphoreType.DMA,
        ],
    )
    def gather_kernel(table_hbm, ei_hbm, out_hbm, idx_v, table_v, out_v,
                      sem1, sem2):
        wid = lax.axis_index("s") * _NC + lax.axis_index("c")
        base = wid * per_w
        phase = lax.rem(base, 128)
        off = pl.multiple_of(base - phase, 128)
        cp_idx = pltpu.async_copy(ei_hbm.at[0, pl.ds(off, win)], idx_v, sem1)
        cp_tab = pltpu.async_copy(table_hbm, table_v, sem2)
        cp_idx.wait()
        cp_tab.wait()

        def body(i, carry):
            b0 = i * (_LANES * _BATCH)
            idxs = [idx_v[pl.ds(phase + b0 + j * _LANES, _LANES)]
                    for j in range(_BATCH)]
            vals = [plsc.load_gather(table_v, [ix]) for ix in idxs]
            for j in range(_BATCH):
                out_v[pl.ds(b0 + j * _LANES, _LANES)] = vals[j]
            return carry

        lax.fori_loop(0, outer, body, 0)
        pltpu.sync_copy(out_v, out_hbm.at[pl.ds(base, per_w)])

    return gather_kernel


def kernel(edge_index, h, W, b):
    del W, b
    n_nodes, _ = h.shape
    n_edges = edge_index.shape[1]

    rowsum = pl.pallas_call(
        _rowsum_body,
        out_shape=jax.ShapeDtypeStruct((n_nodes,), jnp.float32),
    )(h)

    return _make_gather(n_nodes, n_edges)(rowsum,
                                          edge_index.astype(jnp.int32))

# --- scband reference (transcript-rebuilt; emitter-appended) ---
"""Pipeline reference for scband-attention-predictor-76948634075699 (READ-ONLY COPY).

The authoritative reference and input builder live on the scoring server;
editing this copy changes nothing except your own understanding.
"""

import jax, jax.numpy as jnp
import numpy as np

N_NODES = 10000
N_EDGES = 320000
D_FEAT = 128


def setup_inputs(seed: int = 0) -> dict:
    key = jax.random.key(seed)
    k_ei, k_h, k_w, k_b = jax.random.split(key, 4)
    edge_index = jax.random.randint(k_ei, (2, N_EDGES), 0, N_NODES, dtype=jnp.int64) if jax.config.jax_enable_x64 else jax.random.randint(k_ei, (2, N_EDGES), 0, N_NODES, dtype=jnp.int32)
    h = jax.random.normal(k_h, (N_NODES, D_FEAT), dtype=jnp.float32)
    # gate_nn: Linear(2*in_feats, 1); torch default init ~ U(-1/sqrt(fan_in), 1/sqrt(fan_in))
    fan_in = 2 * D_FEAT
    bound = 1.0 / np.sqrt(fan_in)
    W = jax.random.uniform(k_w, (2 * D_FEAT, 1), dtype=jnp.float32, minval=-bound, maxval=bound)
    b = jax.random.uniform(k_b, (1,), dtype=jnp.float32, minval=-bound, maxval=bound)
    return {"edge_index": edge_index, "h": h, "W": W, "b": b}


def reference(edge_index, h, W, b):
    src = edge_index[0]
    dst = edge_index[1]
    h_src = jnp.take(h, src, axis=0)
    h_dst = jnp.take(h, dst, axis=0)
    h_concat = jnp.concatenate([h_src, h_dst], axis=1)  # [E, 2*d]
    gate = jax.nn.leaky_relu(h_concat @ W + b, negative_slope=0.01)  # [E, 1]
    gate = jax.nn.softmax(gate, axis=1)  # softmax over singleton dim -> ones (faithful)
    score = jnp.sum(gate * h_src, axis=1)  # [E]
    return score

if __name__ == "__main__":
    import jax
    _d = setup_inputs()
    print(jax.jit(kernel)(*tuple(_d.values())))

</pallas_src>

<mosaic_0001>
#map = affine_map<(d0, d1) -> (0)>
#map1 = affine_map<(d0, d1) -> (0, 0)>
module attributes {stable_mosaic.version = 14 : i64} {
  func.func @gather_kernel(%arg0: i32, %arg1: i32, %arg2: memref<10000xf32, #tpu.memory_space<hbm>>, %arg3: memref<2x320000xi32, #tpu.memory_space<hbm>>, %arg4: memref<320000xf32, #tpu.memory_space<hbm>>, %arg5: memref<10112xi32, #tpu.memory_space<vmem>>, %arg6: memref<10000xf32, #tpu.memory_space<vmem>>, %arg7: memref<10000xf32, #tpu.memory_space<vmem>>, %arg8: memref<!tpu.dma_semaphore, #tpu.memory_space<semaphore_mem>>, %arg9: memref<!tpu.dma_semaphore, #tpu.memory_space<semaphore_mem>>) attributes {dimension_semantics = [#tpu.dimension_semantics<core_parallel>, #tpu.dimension_semantics<subcore_parallel>], iteration_bounds = array<i64: 2, 16>, scalar_prefetch = 0 : i64, scratch_operands = 5 : i64, tpu.core_type = #tpu.core_type<sc_vector_subcore>, window_params = [{transform_indices = #map}, {transform_indices = #map1}, {transform_indices = #map}]} {
    %mul3A = arith.constant 2 : i32
    %mul3A_0 = arith.muli %arg1, %mul3A : i32
    %add3A = arith.addi %mul3A_0, %arg0 : i32
    %mul3A_1 = arith.constant 10000 : i32
    %mul3A_2 = arith.muli %add3A, %mul3A_1 : i32
    %rem3A = arith.constant 128 : i32
    %rem3A_3 = arith.remsi %mul3A_2, %rem3A : i32
    %sub3A = arith.subi %mul3A_2, %rem3A_3 : i32
    %multiple_of3A = tpu.assume_multiple %sub3A, 128 : i32
    %dma_start3A = arith.constant 0 : i32
    %dma_start3A_4 = tpu.memref_slice %arg3[%dma_start3A, %multiple_of3A] : memref<2x320000xi32, #tpu.memory_space<hbm>> -> memref<1x10112xi32, #tpu.memory_space<hbm>>
    %dma_start3A_5 = tpu.memref_squeeze %dma_start3A_4 : memref<1x10112xi32, #tpu.memory_space<hbm>> -> memref<10112xi32, #tpu.memory_space<hbm>>
    %dma_start3A_6 = tpu.memref_slice %arg3[%dma_start3A, %multiple_of3A] : memref<2x320000xi32, #tpu.memory_space<hbm>> -> memref<1x10112xi32, #tpu.memory_space<hbm>>
    %dma_start3A_7 = tpu.memref_squeeze %dma_start3A_6 : memref<1x10112xi32, #tpu.memory_space<hbm>> -> memref<10112xi32, #tpu.memory_space<hbm>>
    tpu.enqueue_dma source(%dma_start3A_7 : memref<10112xi32, #tpu.memory_space<hbm>>) target(%arg5 : memref<10112xi32, #tpu.memory_space<vmem>>) target_semaphore(%arg8 : memref<!tpu.dma_semaphore, #tpu.memory_space<semaphore_mem>>)
    tpu.enqueue_dma source(%arg2 : memref<10000xf32, #tpu.memory_space<hbm>>) target(%arg6 : memref<10000xf32, #tpu.memory_space<vmem>>) target_semaphore(%arg9 : memref<!tpu.dma_semaphore, #tpu.memory_space<semaphore_mem>>)
    %dma_wait3A = arith.constant 0 : i32
    %dma_wait3A_8 = tpu.memref_slice %arg3[%dma_wait3A, %multiple_of3A] : memref<2x320000xi32, #tpu.memory_space<hbm>> -> memref<1x10112xi32, #tpu.memory_space<hbm>>
    %dma_wait3A_9 = tpu.memref_squeeze %dma_wait3A_8 : memref<1x10112xi32, #tpu.memory_space<hbm>> -> memref<10112xi32, #tpu.memory_space<hbm>>
    %dma_wait3A_10 = tpu.memref_slice %arg3[%dma_wait3A, %multiple_of3A] : memref<2x320000xi32, #tpu.memory_space<hbm>> -> memref<1x10112xi32, #tpu.memory_space<hbm>>
    %dma_wait3A_11 = tpu.memref_squeeze %dma_wait3A_10 : memref<1x10112xi32, #tpu.memory_space<hbm>> -> memref<10112xi32, #tpu.memory_space<hbm>>
    tpu.wait_dma2 semaphore(%arg8 : memref<!tpu.dma_semaphore, #tpu.memory_space<semaphore_mem>>) src(%dma_wait3A_11 : memref<10112xi32, #tpu.memory_space<hbm>>) dst(%arg5 : memref<10112xi32, #tpu.memory_space<vmem>>)
    tpu.wait_dma2 semaphore(%arg9 : memref<!tpu.dma_semaphore, #tpu.memory_space<semaphore_mem>>) src(%arg2 : memref<10000xf32, #tpu.memory_space<hbm>>) dst(%arg6 : memref<10000xf32, #tpu.memory_space<vmem>>)
    %scan3A = arith.constant 0 : i32
    %scan3A_12 = arith.constant 0 : i32
    %scan3A_13 = arith.constant 25 : i32
    %scan3A_14 = arith.addi %scan3A_12, %scan3A_13 : i32
    %scan3A_15 = arith.constant 1 : i32
    scf.for %scan3A_17 = %scan3A_12 to %scan3A_14 step %scan3A_15  : i32 {
      %mul3A_18 = arith.constant 400 : i32
      %mul3A_19 = arith.muli %scan3A_17, %mul3A_18 : i32
      %add3A_20 = arith.addi %rem3A_3, %mul3A_19 : i32
      %add3A_21 = arith.constant 0 : i32
      %add3A_22 = arith.addi %add3A_20, %add3A_21 : i32
      %get3A = arith.index_cast %add3A_22 : i32 to index
      %get3A_23 = tpu.vector_load %arg5[%get3A] {strides = array<i32>} : memref<10112xi32, #tpu.memory_space<vmem>>, vector<16xi32>,
      %add3A_24 = arith.addi %rem3A_3, %mul3A_19 : i32
      %add3A_25 = arith.constant 16 : i32
      %add3A_26 = arith.addi %add3A_24, %add3A_25 : i32
      %get3A_27 = arith.index_cast %add3A_26 : i32 to index
      %get3A_28 = tpu.vector_load %arg5[%get3A_27] {strides = array<i32>} : memref<10112xi32, #tpu.memory_space<vmem>>, vector<16xi32>,
      %add3A_29 = arith.addi %rem3A_3, %mul3A_19 : i32
      %add3A_30 = arith.constant 32 : i32
      %add3A_31 = arith.addi %add3A_29, %add3A_30 : i32
      %get3A_32 = arith.index_cast %add3A_31 : i32 to index
      %get3A_33 = tpu.vector_load %arg5[%get3A_32] {strides = array<i32>} : memref<10112xi32, #tpu.memory_space<vmem>>, vector<16xi32>,
      %add3A_34 = arith.addi %rem3A_3, %mul3A_19 : i32
      %add3A_35 = arith.constant 48 : i32
      %add3A_36 = arith.addi %add3A_34, %add3A_35 : i32
      %get3A_37 = arith.index_cast %add3A_36 : i32 to index
      %get3A_38 = tpu.vector_load %arg5[%get3A_37] {strides = array<i32>} : memref<10112xi32, #tpu.memory_space<vmem>>, vector<16xi32>,
      %add3A_39 = arith.addi %rem3A_3, %mul3A_19 : i32
      %add3A_40 = arith.constant 64 : i32
      %add3A_41 = arith.addi %add3A_39, %add3A_40 : i32
      %get3A_42 = arith.index_cast %add3A_41 : i32 to index
      %get3A_43 = tpu.vector_load %arg5[%get3A_42] {strides = array<i32>} : memref<10112xi32, #tpu.memory_space<vmem>>, vector<16xi32>,
      %add3A_44 = arith.addi %rem3A_3, %mul3A_19 : i32
      %add3A_45 = arith.constant 80 : i32
      %add3A_46 = arith.addi %add3A_44, %add3A_45 : i32
      %get3A_47 = arith.index_cast %add3A_46 : i32 to index
      %get3A_48 = tpu.vector_load %arg5[%get3A_47] {strides = array<i32>} : memref<10112xi32, #tpu.memory_space<vmem>>, vector<16xi32>,
      %add3A_49 = arith.addi %rem3A_3, %mul3A_19 : i32
      %add3A_50 = arith.constant 96 : i32
      %add3A_51 = arith.addi %add3A_49, %add3A_50 : i32
      %get3A_52 = arith.index_cast %add3A_51 : i32 to index
      %get3A_53 = tpu.vector_load %arg5[%get3A_52] {strides = array<i32>} : memref<10112xi32, #tpu.memory_space<vmem>>, vector<16xi32>,
      %add3A_54 = arith.addi %rem3A_3, %mul3A_19 : i32
      %add3A_55 = arith.constant 112 : i32
      %add3A_56 = arith.addi %add3A_54, %add3A_55 : i32
      %get3A_57 = arith.index_cast %add3A_56 : i32 to index
      %get3A_58 = tpu.vector_load %arg5[%get3A_57] {strides = array<i32>} : memref<10112xi32, #tpu.memory_space<vmem>>, vector<16xi32>,
      %add3A_59 = arith.addi %rem3A_3, %mul3A_19 : i32
      %add3A_60 = arith.constant 128 : i32
      %add3A_61 = arith.addi %add3A_59, %add3A_60 : i32
      %get3A_62 = arith.index_cast %add3A_61 : i32 to index
      %get3A_63 = tpu.vector_load %arg5[%get3A_62] {strides = array<i32>} : memref<10112xi32, #tpu.memory_space<vmem>>, vector<16xi32>,
      %add3A_64 = arith.addi %rem3A_3, %mul3A_19 : i32
      %add3A_65 = arith.constant 144 : i32
      %add3A_66 = arith.addi %add3A_64, %add3A_65 : i32
      %get3A_67 = arith.index_cast %add3A_66 : i32 to index
      %get3A_68 = tpu.vector_load %arg5[%get3A_67] {strides = array<i32>} : memref<10112xi32, #tpu.memory_space<vmem>>, vector<16xi32>,
      %add3A_69 = arith.addi %rem3A_3, %mul3A_19 : i32
      %add3A_70 = arith.constant 160 : i32
      %add3A_71 = arith.addi %add3A_69, %add3A_70 : i32
      %get3A_72 = arith.index_cast %add3A_71 : i32 to index
      %get3A_73 = tpu.vector_load %arg5[%get3A_72] {strides = array<i32>} : memref<10112xi32, #tpu.memory_space<vmem>>, vector<16xi32>,
      %add3A_74 = arith.addi %rem3A_3, %mul3A_19 : i32
      %add3A_75 = arith.constant 176 : i32
      %add3A_76 = arith.addi %add3A_74, %add3A_75 : i32
      %get3A_77 = arith.index_cast %add3A_76 : i32 to index
      %get3A_78 = tpu.vector_load %arg5[%get3A_77] {strides = array<i32>} : memref<10112xi32, #tpu.memory_space<vmem>>, vector<16xi32>,
      %add3A_79 = arith.addi %rem3A_3, %mul3A_19 : i32
      %add3A_80 = arith.constant 192 : i32
      %add3A_81 = arith.addi %add3A_79, %add3A_80 : i32
      %get3A_82 = arith.index_cast %add3A_81 : i32 to index
      %get3A_83 = tpu.vector_load %arg5[%get3A_82] {strides = array<i32>} : memref<10112xi32, #tpu.memory_space<vmem>>, vector<16xi32>,
      %add3A_84 = arith.addi %rem3A_3, %mul3A_19 : i32
      %add3A_85 = arith.constant 208 : i32
      %add3A_86 = arith.addi %add3A_84, %add3A_85 : i32
      %get3A_87 = arith.index_cast %add3A_86 : i32 to index
      %get3A_88 = tpu.vector_load %arg5[%get3A_87] {strides = array<i32>} : memref<10112xi32, #tpu.memory_space<vmem>>, vector<16xi32>,
      %add3A_89 = arith.addi %rem3A_3, %mul3A_19 : i32
      %add3A_90 = arith.constant 224 : i32
      %add3A_91 = arith.addi %add3A_89, %add3A_90 : i32
      %get3A_92 = arith.index_cast %add3A_91 : i32 to index
      %get3A_93 = tpu.vector_load %arg5[%get3A_92] {strides = array<i32>} : memref<10112xi32, #tpu.memory_space<vmem>>, vector<16xi32>,
      %add3A_94 = arith.addi %rem3A_3, %mul3A_19 : i32
      %add3A_95 = arith.constant 240 : i32
      %add3A_96 = arith.addi %add3A_94, %add3A_95 : i32
      %get3A_97 = arith.index_cast %add3A_96 : i32 to index
      %get3A_98 = tpu.vector_load %arg5[%get3A_97] {strides = array<i32>} : memref<10112xi32, #tpu.memory_space<vmem>>, vector<16xi32>,
      %add3A_99 = arith.addi %rem3A_3, %mul3A_19 : i32
      %add3A_100 = arith.constant 256 : i32
      %add3A_101 = arith.addi %add3A_99, %add3A_100 : i32
      %get3A_102 = arith.index_cast %add3A_101 : i32 to index
      %get3A_103 = tpu.vector_load %arg5[%get3A_102] {strides = array<i32>} : memref<10112xi32, #tpu.memory_space<vmem>>, vector<16xi32>,
      %add3A_104 = arith.addi %rem3A_3, %mul3A_19 : i32
      %add3A_105 = arith.constant 272 : i32
      %add3A_106 = arith.addi %add3A_104, %add3A_105 : i32
      %get3A_107 = arith.index_cast %add3A_106 : i32 to index
      %get3A_108 = tpu.vector_load %arg5[%get3A_107] {strides = array<i32>} : memref<10112xi32, #tpu.memory_space<vmem>>, vector<16xi32>,
      %add3A_109 = arith.addi %rem3A_3, %mul3A_19 : i32
      %add3A_110 = arith.constant 288 : i32
      %add3A_111 = arith.addi %add3A_109, %add3A_110 : i32
      %get3A_112 = arith.index_cast %add3A_111 : i32 to index
      %get3A_113 = tpu.vector_load %arg5[%get3A_112] {strides = array<i32>} : memref<10112xi32, #tpu.memory_space<vmem>>, vector<16xi32>,
      %add3A_114 = arith.addi %rem3A_3, %mul3A_19 : i32
      %add3A_115 = arith.constant 304 : i32
      %add3A_116 = arith.addi %add3A_114, %add3A_115 : i32
      %get3A_117 = arith.index_cast %add3A_116 : i32 to index
      %get3A_118 = tpu.vector_load %arg5[%get3A_117] {strides = array<i32>} : memref<10112xi32, #tpu.memory_space<vmem>>, vector<16xi32>,
      %add3A_119 = arith.addi %rem3A_3, %mul3A_19 : i32
      %add3A_120 = arith.constant 320 : i32
      %add3A_121 = arith.addi %add3A_119, %add3A_120 : i32
      %get3A_122 = arith.index_cast %add3A_121 : i32 to index
      %get3A_123 = tpu.vector_load %arg5[%get3A_122] {strides = array<i32>} : memref<10112xi32, #tpu.memory_space<vmem>>, vector<16xi32>,
      %add3A_124 = arith.addi %rem3A_3, %mul3A_19 : i32
      %add3A_125 = arith.constant 336 : i32
      %add3A_126 = arith.addi %add3A_124, %add3A_125 : i32
      %get3A_127 = arith.index_cast %add3A_126 : i32 to index
      %get3A_128 = tpu.vector_load %arg5[%get3A_127] {strides = array<i32>} : memref<10112xi32, #tpu.memory_space<vmem>>, vector<16xi32>,
      %add3A_129 = arith.addi %rem3A_3, %mul3A_19 : i32
      %add3A_130 = arith.constant 352 : i32
      %add3A_131 = arith.addi %add3A_129, %add3A_130 : i32
      %get3A_132 = arith.index_cast %add3A_131 : i32 to index
      %get3A_133 = tpu.vector_load %arg5[%get3A_132] {strides = array<i32>} : memref<10112xi32, #tpu.memory_space<vmem>>, vector<16xi32>,
      %add3A_134 = arith.addi %rem3A_3, %mul3A_19 : i32
      %add3A_135 = arith.constant 368 : i32
      %add3A_136 = arith.addi %add3A_134, %add3A_135 : i32
      %get3A_137 = arith.index_cast %add3A_136 : i32 to index
      %get3A_138 = tpu.vector_load %arg5[%get3A_137] {strides = array<i32>} : memref<10112xi32, #tpu.memory_space<vmem>>, vector<16xi32>,
      %add3A_139 = arith.addi %rem3A_3, %mul3A_19 : i32
      %add3A_140 = arith.constant 384 : i32
      %add3A_141 = arith.addi %add3A_139, %add3A_140 : i32
      %get3A_142 = arith.index_cast %add3A_141 : i32 to index
      %get3A_143 = tpu.vector_load %arg5[%get3A_142] {strides = array<i32>} : memref<10112xi32, #tpu.memory_space<vmem>>, vector<16xi32>,
      %gather3A = tpu.vector_load_idx %arg6[%get3A_23] : memref<10000xf32, #tpu.memory_space<vmem>>[vector<16xi32>], vector<16xf32>,
      %gather3A_144 = tpu.vector_load_idx %arg6[%get3A_28] : memref<10000xf32, #tpu.memory_space<vmem>>[vector<16xi32>], vector<16xf32>,
      %gather3A_145 = tpu.vector_load_idx %arg6[%get3A_33] : memref<10000xf32, #tpu.memory_space<vmem>>[vector<16xi32>], vector<16xf32>,
      %gather3A_146 = tpu.vector_load_idx %arg6[%get3A_38] : memref<10000xf32, #tpu.memory_space<vmem>>[vector<16xi32>], vector<16xf32>,
      %gather3A_147 = tpu.vector_load_idx %arg6[%get3A_43] : memref<10000xf32, #tpu.memory_space<vmem>>[vector<16xi32>], vector<16xf32>,
      %gather3A_148 = tpu.vector_load_idx %arg6[%get3A_48] : memref<10000xf32, #tpu.memory_space<vmem>>[vector<16xi32>], vector<16xf32>,
      %gather3A_149 = tpu.vector_load_idx %arg6[%get3A_53] : memref<10000xf32, #tpu.memory_space<vmem>>[vector<16xi32>], vector<16xf32>,
      %gather3A_150 = tpu.vector_load_idx %arg6[%get3A_58] : memref<10000xf32, #tpu.memory_space<vmem>>[vector<16xi32>], vector<16xf32>,
      %gather3A_151 = tpu.vector_load_idx %arg6[%get3A_63] : memref<10000xf32, #tpu.memory_space<vmem>>[vector<16xi32>], vector<16xf32>,
      %gather3A_152 = tpu.vector_load_idx %arg6[%get3A_68] : memref<10000xf32, #tpu.memory_space<vmem>>[vector<16xi32>], vector<16xf32>,
      %gather3A_153 = tpu.vector_load_idx %arg6[%get3A_73] : memref<10000xf32, #tpu.memory_space<vmem>>[vector<16xi32>], vector<16xf32>,
      %gather3A_154 = tpu.vector_load_idx %arg6[%get3A_78] : memref<10000xf32, #tpu.memory_space<vmem>>[vector<16xi32>], vector<16xf32>,
      %gather3A_155 = tpu.vector_load_idx %arg6[%get3A_83] : memref<10000xf32, #tpu.memory_space<vmem>>[vector<16xi32>], vector<16xf32>,
      %gather3A_156 = tpu.vector_load_idx %arg6[%get3A_88] : memref<10000xf32, #tpu.memory_space<vmem>>[vector<16xi32>], vector<16xf32>,
      %gather3A_157 = tpu.vector_load_idx %arg6[%get3A_93] : memref<10000xf32, #tpu.memory_space<vmem>>[vector<16xi32>], vector<16xf32>,
      %gather3A_158 = tpu.vector_load_idx %arg6[%get3A_98] : memref<10000xf32, #tpu.memory_space<vmem>>[vector<16xi32>], vector<16xf32>,
      %gather3A_159 = tpu.vector_load_idx %arg6[%get3A_103] : memref<10000xf32, #tpu.memory_space<vmem>>[vector<16xi32>], vector<16xf32>,
      %gather3A_160 = tpu.vector_load_idx %arg6[%get3A_108] : memref<10000xf32, #tpu.memory_space<vmem>>[vector<16xi32>], vector<16xf32>,
      %gather3A_161 = tpu.vector_load_idx %arg6[%get3A_113] : memref<10000xf32, #tpu.memory_space<vmem>>[vector<16xi32>], vector<16xf32>,
      %gather3A_162 = tpu.vector_load_idx %arg6[%get3A_118] : memref<10000xf32, #tpu.memory_space<vmem>>[vector<16xi32>], vector<16xf32>,
      %gather3A_163 = tpu.vector_load_idx %arg6[%get3A_123] : memref<10000xf32, #tpu.memory_space<vmem>>[vector<16xi32>], vector<16xf32>,
      %gather3A_164 = tpu.vector_load_idx %arg6[%get3A_128] : memref<10000xf32, #tpu.memory_space<vmem>>[vector<16xi32>], vector<16xf32>,
      %gather3A_165 = tpu.vector_load_idx %arg6[%get3A_133] : memref<10000xf32, #tpu.memory_space<vmem>>[vector<16xi32>], vector<16xf32>,
      %gather3A_166 = tpu.vector_load_idx %arg6[%get3A_138] : memref<10000xf32, #tpu.memory_space<vmem>>[vector<16xi32>], vector<16xf32>,
      %gather3A_167 = tpu.vector_load_idx %arg6[%get3A_143] : memref<10000xf32, #tpu.memory_space<vmem>>[vector<16xi32>], vector<16xf32>,
      %add3A_168 = arith.constant 0 : i32
      %add3A_169 = arith.addi %mul3A_19, %add3A_168 : i32
      %swap3A = arith.index_cast %add3A_169 : i32 to index
      %swap3A_170 = tpu.vector_load %arg7[%swap3A] {strides = array<i32>} : memref<10000xf32, #tpu.memory_space<vmem>>, vector<16xf32>,
      tpu.vector_store %arg7[%swap3A], %gather3A {strides = array<i32>} : memref<10000xf32, #tpu.memory_space<vmem>>, vector<16xf32>,
      %add3A_171 = arith.constant 16 : i32
      %add3A_172 = arith.addi %mul3A_19, %add3A_171 : i32
      %swap3A_173 = arith.index_cast %add3A_172 : i32 to index
      %swap3A_174 = tpu.vector_load %arg7[%swap3A_173] {strides = array<i32>} : memref<10000xf32, #tpu.memory_space<vmem>>, vector<16xf32>,
      tpu.vector_store %arg7[%swap3A_173], %gather3A_144 {strides = array<i32>} : memref<10000xf32, #tpu.memory_space<vmem>>, vector<16xf32>,
      %add3A_175 = arith.constant 32 : i32
      %add3A_176 = arith.addi %mul3A_19, %add3A_175 : i32
      %swap3A_177 = arith.index_cast %add3A_176 : i32 to index
      %swap3A_178 = tpu.vector_load %arg7[%swap3A_177] {strides = array<i32>} : memref<10000xf32, #tpu.memory_space<vmem>>, vector<16xf32>,
      tpu.vector_store %arg7[%swap3A_177], %gather3A_145 {strides = array<i32>} : memref<10000xf32, #tpu.memory_space<vmem>>, vector<16xf32>,
      %add3A_179 = arith.constant 48 : i32
      %add3A_180 = arith.addi %mul3A_19, %add3A_179 : i32
      %swap3A_181 = arith.index_cast %add3A_180 : i32 to index
      %swap3A_182 = tpu.vector_load %arg7[%swap3A_181] {strides = array<i32>} : memref<10000xf32, #tpu.memory_space<vmem>>, vector<16xf32>,
      tpu.vector_store %arg7[%swap3A_181], %gather3A_146 {strides = array<i32>} : memref<10000xf32, #tpu.memory_space<vmem>>, vector<16xf32>,
      %add3A_183 = arith.constant 64 : i32
      %add3A_184 = arith.addi %mul3A_19, %add3A_183 : i32
      %swap3A_185 = arith.index_cast %add3A_184 : i32 to index
      %swap3A_186 = tpu.vector_load %arg7[%swap3A_185] {strides = array<i32>} : memref<10000xf32, #tpu.memory_space<vmem>>, vector<16xf32>,
      tpu.vector_store %arg7[%swap3A_185], %gather3A_147 {strides = array<i32>} : memref<10000xf32, #tpu.memory_space<vmem>>, vector<16xf32>,
      %add3A_187 = arith.constant 80 : i32
      %add3A_188 = arith.addi %mul3A_19, %add3A_187 : i32
      %swap3A_189 = arith.index_cast %add3A_188 : i32 to index
      %swap3A_190 = tpu.vector_load %arg7[%swap3A_189] {strides = array<i32>} : memref<10000xf32, #tpu.memory_space<vmem>>, vector<16xf32>,
      tpu.vector_store %arg7[%swap3A_189], %gather3A_148 {strides = array<i32>} : memref<10000xf32, #tpu.memory_space<vmem>>, vector<16xf32>,
      %add3A_191 = arith.constant 96 : i32
      %add3A_192 = arith.addi %mul3A_19, %add3A_191 : i32
      %swap3A_193 = arith.index_cast %add3A_192 : i32 to index
      %swap3A_194 = tpu.vector_load %arg7[%swap3A_193] {strides = array<i32>} : memref<10000xf32, #tpu.memory_space<vmem>>, vector<16xf32>,
      tpu.vector_store %arg7[%swap3A_193], %gather3A_149 {strides = array<i32>} : memref<10000xf32, #tpu.memory_space<vmem>>, vector<16xf32>,
      %add3A_195 = arith.constant 112 : i32
      %add3A_196 = arith.addi %mul3A_19, %add3A_195 : i32
      %swap3A_197 = arith.index_cast %add3A_196 : i32 to index
      %swap3A_198 = tpu.vector_load %arg7[%swap3A_197] {strides = array<i32>} : memref<10000xf32, #tpu.memory_space<vmem>>, vector<16xf32>,
      tpu.vector_store %arg7[%swap3A_197], %gather3A_150 {strides = array<i32>} : memref<10000xf32, #tpu.memory_space<vmem>>, vector<16xf32>,
      %add3A_199 = arith.constant 128 : i32
      %add3A_200 = arith.addi %mul3A_19, %add3A_199 : i32
      %swap3A_201 = arith.index_cast %add3A_200 : i32 to index
      %swap3A_202 = tpu.vector_load %arg7[%swap3A_201] {strides = array<i32>} : memref<10000xf32, #tpu.memory_space<vmem>>, vector<16xf32>,
      tpu.vector_store %arg7[%swap3A_201], %gather3A_151 {strides = array<i32>} : memref<10000xf32, #tpu.memory_space<vmem>>, vector<16xf32>,
      %add3A_203 = arith.constant 144 : i32
      %add3A_204 = arith.addi %mul3A_19, %add3A_203 : i32
      %swap3A_205 = arith.index_cast %add3A_204 : i32 to index
      %swap3A_206 = tpu.vector_load %arg7[%swap3A_205] {strides = array<i32>} : memref<10000xf32, #tpu.memory_space<vmem>>, vector<16xf32>,
      tpu.vector_store %arg7[%swap3A_205], %gather3A_152 {strides = array<i32>} : memref<10000xf32, #tpu.memory_space<vmem>>, vector<16xf32>,
      %add3A_207 = arith.constant 160 : i32
      %add3A_208 = arith.addi %mul3A_19, %add3A_207 : i32
      %swap3A_209 = arith.index_cast %add3A_208 : i32 to index
      %swap3A_210 = tpu.vector_load %arg7[%swap3A_209] {strides = array<i32>} : memref<10000xf32, #tpu.memory_space<vmem>>, vector<16xf32>,
      tpu.vector_store %arg7[%swap3A_209], %gather3A_153 {strides = array<i32>} : memref<10000xf32, #tpu.memory_space<vmem>>, vector<16xf32>,
      %add3A_211 = arith.constant 176 : i32
      %add3A_212 = arith.addi %mul3A_19, %add3A_211 : i32
      %swap3A_213 = arith.index_cast %add3A_212 : i32 to index
      %swap3A_214 = tpu.vector_load %arg7[%swap3A_213] {strides = array<i32>} : memref<10000xf32, #tpu.memory_space<vmem>>, vector<16xf32>,
      tpu.vector_store %arg7[%swap3A_213], %gather3A_154 {strides = array<i32>} : memref<10000xf32, #tpu.memory_space<vmem>>, vector<16xf32>,
      %add3A_215 = arith.constant 192 : i32
      %add3A_216 = arith.addi %mul3A_19, %add3A_215 : i32
      %swap3A_217 = arith.index_cast %add3A_216 : i32 to index
      %swap3A_218 = tpu.vector_load %arg7[%swap3A_217] {strides = array<i32>} : memref<10000xf32, #tpu.memory_space<vmem>>, vector<16xf32>,
      tpu.vector_store %arg7[%swap3A_217], %gather3A_155 {strides = array<i32>} : memref<10000xf32, #tpu.memory_space<vmem>>, vector<16xf32>,
      %add3A_219 = arith.constant 208 : i32
      %add3A_220 = arith.addi %mul3A_19, %add3A_219 : i32
      %swap3A_221 = arith.index_cast %add3A_220 : i32 to index
      %swap3A_222 = tpu.vector_load %arg7[%swap3A_221] {strides = array<i32>} : memref<10000xf32, #tpu.memory_space<vmem>>, vector<16xf32>,
      tpu.vector_store %arg7[%swap3A_221], %gather3A_156 {strides = array<i32>} : memref<10000xf32, #tpu.memory_space<vmem>>, vector<16xf32>,
      %add3A_223 = arith.constant 224 : i32
      %add3A_224 = arith.addi %mul3A_19, %add3A_223 : i32
      %swap3A_225 = arith.index_cast %add3A_224 : i32 to index
      %swap3A_226 = tpu.vector_load %arg7[%swap3A_225] {strides = array<i32>} : memref<10000xf32, #tpu.memory_space<vmem>>, vector<16xf32>,
      tpu.vector_store %arg7[%swap3A_225], %gather3A_157 {strides = array<i32>} : memref<10000xf32, #tpu.memory_space<vmem>>, vector<16xf32>,
      %add3A_227 = arith.constant 240 : i32
      %add3A_228 = arith.addi %mul3A_19, %add3A_227 : i32
      %swap3A_229 = arith.index_cast %add3A_228 : i32 to index
      %swap3A_230 = tpu.vector_load %arg7[%swap3A_229] {strides = array<i32>} : memref<10000xf32, #tpu.memory_space<vmem>>, vector<16xf32>,
      tpu.vector_store %arg7[%swap3A_229], %gather3A_158 {strides = array<i32>} : memref<10000xf32, #tpu.memory_space<vmem>>, vector<16xf32>,
      %add3A_231 = arith.constant 256 : i32
      %add3A_232 = arith.addi %mul3A_19, %add3A_231 : i32
      %swap3A_233 = arith.index_cast %add3A_232 : i32 to index
      %swap3A_234 = tpu.vector_load %arg7[%swap3A_233] {strides = array<i32>} : memref<10000xf32, #tpu.memory_space<vmem>>, vector<16xf32>,
      tpu.vector_store %arg7[%swap3A_233], %gather3A_159 {strides = array<i32>} : memref<10000xf32, #tpu.memory_space<vmem>>, vector<16xf32>,
      %add3A_235 = arith.constant 272 : i32
      %add3A_236 = arith.addi %mul3A_19, %add3A_235 : i32
      %swap3A_237 = arith.index_cast %add3A_236 : i32 to index
      %swap3A_238 = tpu.vector_load %arg7[%swap3A_237] {strides = array<i32>} : memref<10000xf32, #tpu.memory_space<vmem>>, vector<16xf32>,
      tpu.vector_store %arg7[%swap3A_237], %gather3A_160 {strides = array<i32>} : memref<10000xf32, #tpu.memory_space<vmem>>, vector<16xf32>,
      %add3A_239 = arith.constant 288 : i32
      %add3A_240 = arith.addi %mul3A_19, %add3A_239 : i32
      %swap3A_241 = arith.index_cast %add3A_240 : i32 to index
      %swap3A_242 = tpu.vector_load %arg7[%swap3A_241] {strides = array<i32>} : memref<10000xf32, #tpu.memory_space<vmem>>, vector<16xf32>,
      tpu.vector_store %arg7[%swap3A_241], %gather3A_161 {strides = array<i32>} : memref<10000xf32, #tpu.memory_space<vmem>>, vector<16xf32>,
      %add3A_243 = arith.constant 304 : i32
      %add3A_244 = arith.addi %mul3A_19, %add3A_243 : i32
      %swap3A_245 = arith.index_cast %add3A_244 : i32 to index
      %swap3A_246 = tpu.vector_load %arg7[%swap3A_245] {strides = array<i32>} : memref<10000xf32, #tpu.memory_space<vmem>>, vector<16xf32>,
      tpu.vector_store %arg7[%swap3A_245], %gather3A_162 {strides = array<i32>} : memref<10000xf32, #tpu.memory_space<vmem>>, vector<16xf32>,
      %add3A_247 = arith.constant 320 : i32
      %add3A_248 = arith.addi %mul3A_19, %add3A_247 : i32
      %swap3A_249 = arith.index_cast %add3A_248 : i32 to index
      %swap3A_250 = tpu.vector_load %arg7[%swap3A_249] {strides = array<i32>} : memref<10000xf32, #tpu.memory_space<vmem>>, vector<16xf32>,
      tpu.vector_store %arg7[%swap3A_249], %gather3A_163 {strides = array<i32>} : memref<10000xf32, #tpu.memory_space<vmem>>, vector<16xf32>,
      %add3A_251 = arith.constant 336 : i32
      %add3A_252 = arith.addi %mul3A_19, %add3A_251 : i32
      %swap3A_253 = arith.index_cast %add3A_252 : i32 to index
      %swap3A_254 = tpu.vector_load %arg7[%swap3A_253] {strides = array<i32>} : memref<10000xf32, #tpu.memory_space<vmem>>, vector<16xf32>,
      tpu.vector_store %arg7[%swap3A_253], %gather3A_164 {strides = array<i32>} : memref<10000xf32, #tpu.memory_space<vmem>>, vector<16xf32>,
      %add3A_255 = arith.constant 352 : i32
      %add3A_256 = arith.addi %mul3A_19, %add3A_255 : i32
      %swap3A_257 = arith.index_cast %add3A_256 : i32 to index
      %swap3A_258 = tpu.vector_load %arg7[%swap3A_257] {strides = array<i32>} : memref<10000xf32, #tpu.memory_space<vmem>>, vector<16xf32>,
      tpu.vector_store %arg7[%swap3A_257], %gather3A_165 {strides = array<i32>} : memref<10000xf32, #tpu.memory_space<vmem>>, vector<16xf32>,
      %add3A_259 = arith.constant 368 : i32
      %add3A_260 = arith.addi %mul3A_19, %add3A_259 : i32
      %swap3A_261 = arith.index_cast %add3A_260 : i32 to index
      %swap3A_262 = tpu.vector_load %arg7[%swap3A_261] {strides = array<i32>} : memref<10000xf32, #tpu.memory_space<vmem>>, vector<16xf32>,
      tpu.vector_store %arg7[%swap3A_261], %gather3A_166 {strides = array<i32>} : memref<10000xf32, #tpu.memory_space<vmem>>, vector<16xf32>,
      %add3A_263 = arith.constant 384 : i32
      %add3A_264 = arith.addi %mul3A_19, %add3A_263 : i32
      %swap3A_265 = arith.index_cast %add3A_264 : i32 to index
      %swap3A_266 = tpu.vector_load %arg7[%swap3A_265] {strides = array<i32>} : memref<10000xf32, #tpu.memory_space<vmem>>, vector<16xf32>,
      tpu.vector_store %arg7[%swap3A_265], %gather3A_167 {strides = array<i32>} : memref<10000xf32, #tpu.memory_space<vmem>>, vector<16xf32>,
    }
    %scan3A_16 = arith.constant 25 : i32
    "tpu.region"() ({
      %run_scoped3A = tpu.sem_alloc : memref<!tpu.dma_semaphore, #tpu.memory_space<semaphore_mem>>
      %dma_start3A_17 = tpu.memref_slice %arg4[%mul3A_2] : memref<320000xf32, #tpu.memory_space<hbm>> -> memref<10000xf32, #tpu.memory_space<hbm>>
      %dma_start3A_18 = tpu.memref_slice %arg4[%mul3A_2] : memref<320000xf32, #tpu.memory_space<hbm>> -> memref<10000xf32, #tpu.memory_space<hbm>>
      tpu.enqueue_dma source(%arg7 : memref<10000xf32, #tpu.memory_space<vmem>>) target(%dma_start3A_18 : memref<10000xf32, #tpu.memory_space<hbm>>) target_semaphore(%run_scoped3A : memref<!tpu.dma_semaphore, #tpu.memory_space<semaphore_mem>>)
      %dma_wait3A_19 = tpu.memref_slice %arg4[%mul3A_2] : memref<320000xf32, #tpu.memory_space<hbm>> -> memref<10000xf32, #tpu.memory_space<hbm>>
      %dma_wait3A_20 = tpu.memref_slice %arg4[%mul3A_2] : memref<320000xf32, #tpu.memory_space<hbm>> -> memref<10000xf32, #tpu.memory_space<hbm>>
      tpu.wait_dma2 semaphore(%run_scoped3A : memref<!tpu.dma_semaphore, #tpu.memory_space<semaphore_mem>>) src(%arg7 : memref<10000xf32, #tpu.memory_space<vmem>>) dst(%dma_wait3A_20 : memref<10000xf32, #tpu.memory_space<hbm>>)
      tpu.yield
    }) : () -> ()
    return
  }
}

module attributes {stable_mosaic.version = 14 : i64} {
  func.func @_rowsum_body(%arg0: memref<10000x128xf32, #tpu.memory_space<vmem>>, %arg1: memref<10000xf32, #tpu.memory_space<vmem>>) attributes {dimension_semantics = [], scalar_prefetch = 0 : i64, scratch_operands = 0 : i64, tpu.core_type = #tpu.core_type<tc>} {
    %get3A = arith.constant 0 : index
    %get3A_0 = arith.constant 0 : index
    %get3A_1 = vector.load %arg0[%get3A, %get3A_0] : memref<10000x128xf32, #tpu.memory_space<vmem>>, vector<10000x128xf32>
    %reduce_sum3A = arith.constant dense<0.000000e+00> : vector<10000xf32>
    %reduce_sum3A_2 = vector.multi_reduction <add>, %get3A_1, %reduce_sum3A [1] : vector<10000x128xf32> to vector<10000xf32>
    %swap3A = arith.constant 0 : index
    %swap3A_3 = vector.load %arg1[%swap3A] : memref<10000xf32, #tpu.memory_space<vmem>>, vector<10000xf32>
    tpu.vector_store %arg1[%swap3A], %reduce_sum3A_2 {strides = array<i32>} : memref<10000xf32, #tpu.memory_space<vmem>>, vector<10000xf32>,
    return
  }
}

</mosaic_0001>

<sc_bundles>
// kernel: kernel.4.cloned.1.call-start
scs
__scs_entry_jumppad:
0x0: {  	(pc) =	sbr.rel $0x88, $3  }
0x1: {  	(tag) =	ssettag $0x0;
	lr =	simm.s32 $0x1  }
0x2: {  	[smem:$0x3F9F] =	sst lr;
	_ =	strace $0xD0000000  }
0x3: {  	_ = 	snop  }
0x4: {  	_ = 	snop  }
0x5: {  	_ = 	snop  }
0x6: {  	_ = 	snop  }
0x7: {  	_ = 	snop  }
__scs_overlays_trampoline_lowered:
0x8: {  	[smem:$0x3FAE] =	sst s0  }
0x9: {  	[smem:$0x3FAF] =	sst s1  }
0xa: {  	[smem:$0x3FB0] =	sst s2  }
0xb: {  	[smem:$0x3FB1] =	sst s3  }
0xc: {  	[smem:$0x3FB2] =	sst s4  }
0xd: {  	[smem:$0x3FB3] =	sst s5  }
0xe: {  	[smem:$0x3FB4] =	sst s6  }
0xf: {  	[smem:$0x3FB5] =	sst s7  }
0x10: {  	[smem:$0x3FB6] =	sst s8  }
0x11: {  	[smem:$0x3FB7] =	sst s9;
	s0 =	simm.s32 @!p0 $0x0  }
0x12: {  	s1 =	sld [smem:$0x3F9D];
	s0 =	simm.s32 @p0 $0x1  }
0x13: {  	[smem:$0x3FB8] =	sst s0;
	s0 =	simm.s32 @!p1 $0x0  }
0x14: {  	s2 =	sld [smem:$0x3F9C];
	s0 =	simm.s32 @p1 $0x1  }
0x15: {  	[smem:$0x3FB9] =	sst s0;
	s0 =	simm.s32 @!p2 $0x0  }
0x16: {  	s3 =	sld [smem:$0x3FDB];
	s0 =	simm.s32 @p2 $0x1  }
0x17: {  	s4 =	simm.s32 $0x1BF5;
	[smem:$0x3FBB] =	sst s0  }
0x18: {  	s0 =	sld [smem:$0x3F9E];
	_ =	swait.ge [sflag:s4], $0x0  }
0x19: {  	s7 =	sld [smem:$0x3F9F]  }
0x1a: {  	s8 =	sadd.s32 $0xFFFFE003, lr  }
0x1b: {  	s9 =	sadd.s32 $0xFFFFFEF7, lr;
	s5 =	simm.s32 $0xFFFFFFFF;
	p2 =	slt.u32 s8, $0xFFFFF086  }
0x1c: {  	p1 =	slt.u32 s9, $0xF7A;
	s5 =	simm.s32 @!p2 $0x0  }
0x1d: {  	s5 =	simm.s32 @p1 $0x1;
	p0 =	seq.s32 s7, s2  }
0x1e: {  	s7 =	smul.u32 @!p0 $0xF7A, s2;
	p2 =	seq.s32 @!p0 s5, $0x0  }
0x1f: {  	s9 =	smul.u32 $0xF7A, s1;
	s8 =	simm.s32 @!p0 $0x1BF5;
	p2 =	por !p2, p0  }
0x20: {  	[sflag:s8] =	ssyncset.s32 @!p0 $0xFFFFF086;
	s6 =	sadd.s32 @!p0 s3, s7;
	s7 =	simm.s32 @!p0 $0x108  }
0x21: {  	s3 =	sadd.s32 s3, s9;
	s6 =	sadd.s32 @!p0 $0x88, s6;
	s7 =	simm.s32 @p2 $0x1082  }
0x22: {  	[simem:s7], [sflag:s8] =	dma.local @!p0 [hbm:s6], $0xF7A  }
0x23: {  	s9 =	sor.u32 $0xD0000000, s2;
	s6 =	simm.s32 $0x108;
	_ =	swait.ge @!p0 [sflag:s8], $0x0  }
0x24: {  	s3 =	sadd.s32 $0x88, s3;
	s6 =	simm.s32 @!p1 $0x1082;
	[sflag:s4] =	ssyncset.s32 $0xFFFFF086  }
0x25: {  	[simem:s6], [sflag:s4] =	dma.local [hbm:s3], $0xF7A  }
0x26: {  	[smem:$0x3F9F] =	sst s1;
	(tag) =	ssettag s2;
	_ =	strace s9  }
0x27: {  	s1 =	sld [smem:$0x3FAF]  }
0x28: {  	s2 =	sld [smem:$0x3FB0]  }
0x29: {  	s4 =	sld [smem:$0x3FB2]  }
0x2a: {  	p0 =	seq.s32 s5, $0x0;
	s5 =	sld [smem:$0x3FB3]  }
0x2b: {  	s6 =	sld [smem:$0x3FB4]  }
0x2c: {  	s7 =	sld [smem:$0x3FB5]  }
0x2d: {  	s3 =	simm.s32 $0x108;
	s8 =	sld [smem:$0x3FB6]  }
0x2e: {  	s3 =	simm.s32 @!p0 $0x1082;
	s9 =	sld [smem:$0x3FB7]  }
0x2f: {  	lr =	sadd.s32 s0, s3;
	s0 =	sld [smem:$0x3FAE]  }
0x30: {  	s3 =	sld [smem:$0x3FB1]  }
0x31: {  	[smem:$0x3FBA] =	sst s10  }
0x32: {  	s10 =	sld [smem:$0x3FB8];
	_ =	sdelay $0x3  }
0x33: {  	p0 =	seq.s32 s10, $0x1;
	s10 =	sld [smem:$0x3FBA];
	_ =	sdelay $0x3  }
0x34: {  	[smem:$0x3FBA] =	sst s10  }
0x35: {  	s10 =	sld [smem:$0x3FB9];
	_ =	sdelay $0x3  }
0x36: {  	p1 =	seq.s32 s10, $0x1;
	s10 =	sld [smem:$0x3FBA];
	_ =	sdelay $0x3  }
0x37: {  	[smem:$0x3FBA] =	sst s10  }
0x38: {  	s10 =	sld [smem:$0x3FBB]  }
0x39: {  	_ = 	snop;
	(pc) =	sbr.ind lr, $3  }
0x3a: {  	_ = 	snop  }
0x3b: {  	_ = 	snop  }
0x3c: {  	p2 =	seq.s32 s10, $0x1;
	s10 =	sld [smem:$0x3FBA]  }
0x3d: {  	_ =	shalt  }
0x3e: {  	_ =	shalt  }
0x3f: {  	_ =	shalt  }
0x40: {  	_ =	shalt  }
0x41: {  	_ =	shalt  }
0x42: {  	_ =	shalt  }
0x43: {  	_ =	shalt  }
0x44: {  	_ =	shalt  }
0x45: {  	_ =	shalt  }
0x46: {  	_ =	shalt  }
0x47: {  	_ =	shalt  }
0x48: {  	_ =	shalt  }
0x49: {  	_ =	shalt  }
0x4a: {  	_ =	shalt  }
0x4b: {  	_ =	shalt  }
0x4c: {  	_ =	shalt  }
0x4d: {  	_ =	shalt  }
0x4e: {  	_ =	shalt  }
0x4f: {  	_ =	shalt  }
0x50: {  	_ =	shalt  }
0x51: {  	_ =	shalt  }
0x52: {  	_ =	shalt  }
0x53: {  	_ =	shalt  }
0x54: {  	_ =	shalt  }
0x55: {  	_ =	shalt  }
0x56: {  	_ =	shalt  }
0x57: {  	_ =	shalt  }
0x58: {  	_ =	shalt  }
0x59: {  	_ =	shalt  }
0x5a: {  	_ =	shalt  }
0x5b: {  	_ =	shalt  }
0x5c: {  	_ =	shalt  }
0x5d: {  	_ =	shalt  }
0x5e: {  	_ =	shalt  }
0x5f: {  	_ =	shalt  }
0x60: {  	_ =	shalt  }
0x61: {  	_ =	shalt  }
0x62: {  	_ =	shalt  }
0x63: {  	_ =	shalt  }
0x64: {  	_ =	shalt  }
0x65: {  	_ =	shalt  }
0x66: {  	_ =	shalt  }
0x67: {  	_ =	shalt  }
0x68: {  	_ =	shalt  }
0x69: {  	_ =	shalt  }
0x6a: {  	_ =	shalt  }
0x6b: {  	_ =	shalt  }
0x6c: {  	_ =	shalt  }
0x6d: {  	_ =	shalt  }
0x6e: {  	_ =	shalt  }
0x6f: {  	_ =	shalt  }
0x70: {  	_ =	shalt  }
0x71: {  	_ =	shalt  }
0x72: {  	_ =	shalt  }
0x73: {  	_ =	shalt  }
0x74: {  	_ =	shalt  }
0x75: {  	_ =	shalt  }
0x76: {  	_ =	shalt  }
0x77: {  	_ =	shalt  }
0x78: {  	_ =	shalt  }
0x79: {  	_ =	shalt  }
0x7a: {  	_ =	shalt  }
0x7b: {  	_ =	shalt  }
0x7c: {  	_ =	shalt  }
0x7d: {  	_ =	shalt  }
0x7e: {  	_ =	shalt  }
0x7f: {  	_ =	shalt  }
0x80: {  	_ =	shalt  }
0x81: {  	_ =	shalt  }
0x82: {  	_ =	shalt  }
0x83: {  	_ =	shalt  }
0x84: {  	_ =	shalt  }
0x85: {  	_ =	shalt  }
0x86: {  	_ =	shalt  }
0x87: {  	_ =	shalt  }
.Lfunc_end0:
.L_simem_size_0:
called_computation_lowered:
.L_overlay_start_0:
0x88: {  	s2 =	sld [smem:$0x3FD9]  }
0x89: {  	s3 =	sld [smem:$0x3FFE];
	_ =	sdelay $0x1  }
0x8a: {  	s1 =	srdreg.scid  }
0x8b: {  	s0 =	sand.u32 $0x1, s1  }
0x8c: {  	s17 =	sshll.u32 s0, $0xA;
	s2 =	sadd.s32 s3, s2  }
0x8d: {  	s2 =	sadd.s32 s2, s17  }
0x8e: {  	[smem:$0x3FC6] =	sst s2  }
0x8f: {  	_ = 	snop  }
0x90: {  	s2 =	sld [smem:$0x3FC9]  }
0x91: {  	s18 =	sld [smem:$0x3FD0];
	(tm) =	ssettm $0x1  }
0x92: {  	s4 =	sld [smem:$0x3FFB];
	_ =	sdelay $0x3  }
0x93: {  	_ =	strace s4  }
0x94: {  	s4 =	sld [smem:$0x3FFC];
	_ =	sdelay $0x3  }
0x95: {  	_ =	strace s4  }
0x96: {  	s4 =	sld [smem:$0x3FFD];
	_ =	sdelay $0x3  }
0x97: {  	_ =	strace s4  }
0x98: {  	_ =	strace $0x8FFFFFFF  }
0x99: {  	s19 =	sld [smem:$0x3FDB];
	_ =	sdelay $0x1  }
0x9a: {  	s5 =	simm.s32 $_scs_section_size  }
0x9b: {  	s6 =	simm.s32 $_size__tile_overlayer_lowered;
	s7 =	simm.s32 $_tile_overlayer_lowered  }
0x9c: {  	s22 =	simm.s32 $0x1BFF;
	s21 =	sshll.u32 s7, $0x1;
	s4 =	sadd.s32 s5, s19  }
0x9d: {  	s8 =	simm.s32 $0x0;
	s20 =	sshll.u32 s6, $0x1;
	s6 =	sadd.s32 s21, s4  }
0x9e: {  	[timem:s8], [sflag:s22] =	dma.local [hbm:s6], s20  }
0x9f: {  	_ =	swait.ge [sflag:s22], s20  }
0xa0: {  	s5 =	ssub.s32 $0x0, s20;
	[sflag:s22] =	ssyncset.done $0x0  }
0xa1: {  	[sflag:s22] =	ssyncadd.s32 s5;
	_ =	sdelay $0x1  }
0xa2: {  	s23 =	simm.s32 $0x1B8B  }
0xa3: {  	_ =	swait.ge [sflag:s23], $0x1  }
0xa4: {  	[sflag:s23] =	ssyncset.done $0x0  }
0xa5: {  	s25 =	simm.s32 $0x1B8E;
	s24 =	sld [smem:$0x3FFE];
	[sflag:s23] =	ssyncadd.s32 $0xFFFFFFFF  }
0xa6: {  	s26 =	simm.s32 $execute0_lowered;
	[smem:$0x3FD2] =	sst s25  }
0xa7: {  	s6 =	sshll.u32 s26, $0x1;
	_ =	strace $0x80000046;
	[dreg:$0x1] =	wrdreg $0xFFFFFFFF  }
0xa8: {  	s28 =	simm.s32 $_size_execute0_lowered;
	s4 =	sadd.s32 s4, s6;
	[dreg:$0x0] =	wrdreg $0x0  }
0xa9: {  	s6 =	sshll.u32 s28, $0x1;
	[dreg:$0x2] =	wrdreg s4  }
0xaa: {  	[dreg:$0x3] =	wrdreg s6  }
0xab: {  	[dreg:$0x4] =	wrdreg $0xC0  }
0xac: {  	_ =	task [dreg:s8], $0x5FFFF  }
0xad: {  	[dreg:$0x1] =	wrdreg $0xFFFFFFFF  }
0xae: {  	[dreg:$0x0] =	wrdreg $0x60  }
0xaf: {  	[dreg:$0x2] =	wrdreg s24  }
0xb0: {  	[dreg:$0x3] =	wrdreg s2  }
0xb1: {  	[dreg:$0x4] =	wrdreg s18  }
0xb2: {  	[dreg:$0x5] =	wrdreg $0x9  }
0xb3: {  	_ =	task.clear_ibuf [dreg:s8], $0x6FFFF;
	_ =	strace $0x90000046  }
0xb4: {  	s29 =	simm.s32 $0x9;
	_ =	strace $0x80000048  }
0xb5: {  	_ =	swait.ge [sflag:s29], $0x1  }
0xb6: {  	[sflag:s29] =	ssyncadd.s32 $0xFFFFFFFF  }
0xb7: {  	_ =	strace $0x90000048  }
0xb8: {  	_ =	sfence  }
0xb9: {  	s30 =	sld [smem:$0x0];
	_ =	sdelay $0x2  }
0xba: {  	s31 =	sshll.u32 s1, $0xD;
	s1 =	sshrl.u32 s1, $0x2  }
0xbb: {  	s3 =	sand.u32 $0x4000, s31;
	s1 =	sadd.s32 s1, s30  }
0xbc: {  	s0 =	sor.u32 s3, s0;
	s1 =	sshll.u32 s1, $0x11  }
0xbd: {  	s0 =	sor.u32 s1, s0  }
0xbe: {  	s0 =	sadd.s32 $0x8F2B, s0  }
0xbf: {  	[sflag:s0] =	ssyncadd.remote.s32 $0x1  }
0xc0: {  	_ =	sfence.sel $0xFFFF  }
0xc1: {  	[dreg:$0x0] =	wrdreg $0xFFFFFFFF;
	(pc) =	sbr.abs _section_cstart, $3  }
0xc2: {  	[dreg:$0x1] =	wrdreg $0xFFFFFFFF  }
0xc3: {  	_ =	task.clear_ibuf [dreg:s8], $0x2FFFF;
	_ =	strace $0x9FFFFFFF  }
0xc4: {  	(tm) =	ssettm $0x7FFFFFFF  }
0xc5: {  	_ =	shalt  }
tec
execute0_lowered:
.L_overlay_start_1:
0x0: {  	(tag) =	ssettag $0x1  }
0x1: {  	s3 =	rddreg [dreg:$0x0]  }
0x2: {  	s4 =	rddreg [dreg:$0x1];
	s1 =	srdreg.scid  }
0x3: {  	s0 =	stileid.u32;
	s5 =	rddreg [dreg:$0x2];
	s2 =	simm.s32 $0x0  }
0x4: {  	s12 =	simm.s32 $0x1;
	s13 =	simm.s32 $0x2;
	s14 =	simm.s32 $0x4F00  }
0x5: {  	s15 =	simm.s32 $0x3;
	s16 =	simm.s32 $0x0;
	s6 =	sand.u32 $0x1, s1  }
0x6: {  	s7 =	sshll.u32 s0, $0x1;
	s1 =	rddreg [dreg:$0x3];
	s9 =	smul.u32 $0x4E20, s0  }
0x7: {  	s7 =	sor.u32 s6, s7;
	s8 =	ssub.s32 $0x2, s6;
	s6 =	smul.u32 $0x2710, s6  }
0x8: {  	[smem:$0x7FF] =	sst s2;
	s7 =	smul.u32 $0x2710, s7;
	s10 =	sshrl.u32 s8, $0x1  }
0x9: {  	s3 =	sadd.s32 $0x800, s3;
	_ =	strace $0x80000047;
	s8 =	ssub.s32 s8, s10  }
0xa: {  	s9 =	sadd.s32 s6, s9;
	s10 =	simm.s32 $0x100;
	s11 =	sshrl.u32 s7, $0x2  }
0xb: {  	s7 =	sshrl.u32 s7, $0x3;
	s6 =	smax.u32 s8, $0x1;
	s31 =	sand.u32 $0x1FFE0, s11  }
0xc: {  	s5 =	sadd.s32 s5, s7;
	s7 =	sand.u32 $0x70, s9;
	s9 =	simm.s32 $0x80  }
0xd: {  	s11 =	simm.s32 $0x2780;
	s4 =	sadd.s32 s4, s31;
	s8 =	sadd.s32 $0xC0, s7  }
.LBB2_1:
0xe: {  	[tilespmem:s2], [sflag:$0x1] =	stream.strided.gather [hbm4b:s4+s9], $0x2780, s10, s9, $0x38;
	[tilespmem:$0x7680] =	vst v63  }
0xf: {  	_ = 	snop  }
0x10: {  	[tilespmem:s11], [sflag:$0x2] =	stream.linear.gather [hbm4b:s3+s2], $0x2780, $0x38;
	[tilespmem:$0x7680] =	vst v63  }
0x11: {  	_ =	swait.ge [sflag:s12], $0x2780  }
0x12: {  	[sflag:s12] =	ssyncset.done $0x0  }
0x13: {  	[sflag:s12] =	ssyncadd.s32 $0xFFFFD880  }
0x14: {  	_ =	swait.ge [sflag:s13], $0x2780  }
0x15: {  	[sflag:s13] =	ssyncset.done $0x0  }
0x16: {  	[sflag:s13] =	ssyncadd.s32 $0xFFFFD880  }
0x17: {  	s17 =	sadd.s32 $0x0, s7;
	v1 =	vld [tilespmem:s8+$0xA0]  }
0x18: {  	s23 =	sand.u32 $0x7FF0, s17;
	v2 =	vld [tilespmem:s8+$0x90]  }
0x19: {  	s20 =	simm.s32 $0x4FC0;
	s21 =	simm.s32 $0x190;
	s19 =	smov.u32 s8;
	v0 =	vld [tilespmem:s23+$0x180]  }
0x1a: {  	s22 =	smov.u32 s8;
	s18 =	simm.s32 $0x0;
	s17 =	simm.s32 $0x4FC0;
	v3 =	vld [tilespmem:s8+$0xB0]  }
.LBB2_2:
0x1b: {  	p0 =	sne.s32 s21, $0x2580;
	v4 =	vld [tilespmem:s19+$0xFFFFFF60];
	s22 =	sadd.s32 $0x190, s22;
	s20 =	sadd.s32 $0x190, s20  }
0x1c: {  	s24 =	smov.u32 s21;
	s21 =	sadd.s32 $0x190, s21;
	v5 =	vld [tilespmem:s19+$0xFFFFFF70]  }
0x1d: {  	v6 =	vld [tilespmem:s19+$0xFFFFFF80]  }
0x1e: {  	v7 =	vld [tilespmem:s19+$0xFFFFFF90]  }
0x1f: {  	v8 =	vld [tilespmem:s19+$0xFFFFFFA0]  }
0x20: {  	v9 =	vld [tilespmem:s19+$0xFFFFFFB0]  }
0x21: {  	v0 =	vld.idx.msk [tilespmem:v0+s11+$0x0], $0xffff  }
0x22: {  	v3 =	vld.idx.msk [tilespmem:v3+s11+$0x0], $0xffff  }
0x23: {  	v10 =	vld [tilespmem:s19+$0x80]  }
0x24: {  	v11 =	vld [tilespmem:s19+$0x70]  }
0x25: {  	v12 =	vld [tilespmem:s19+$0x60]  }
0x26: {  	v13 =	vld [tilespmem:s19+$0x50]  }
0x27: {  	v14 =	vld [tilespmem:s19+$0xFFFFFF40]  }
0x28: {  	v15 =	vld [tilespmem:s19+$0xFFFFFF50]  }
0x29: {  	v1 =	vld.idx.msk [tilespmem:v1+s11+$0x0], $0xffff  }
0x2a: {  	v2 =	vld.idx.msk [tilespmem:v2+s11+$0x0], $0xffff  }
0x2b: {  	v10 =	vld.idx.msk [tilespmem:v10+s11+$0x0], $0xffff  }
0x2c: {  	v11 =	vld.idx.msk [tilespmem:v11+s11+$0x0], $0xffff  }
0x2d: {  	v12 =	vld.idx.msk [tilespmem:v12+s11+$0x0], $0xffff  }
0x2e: {  	v13 =	vld.idx.msk [tilespmem:v13+s11+$0x0], $0xffff  }
0x2f: {  	v16 =	vld [tilespmem:s23+$0x80]  }
0x30: {  	v17 =	vld [tilespmem:s23+$0x100]  }
0x31: {  	v18 =	vld [tilespmem:s19+$0x30]  }
0x32: {  	v19 =	vld [tilespmem:s19+$0x20]  }
0x33: {  	v20 =	vld [tilespmem:s19+$0x10]  }
0x34: {  	v21 =	vld [tilespmem:s19+$0x0]  }
0x35: {  	v22 =	vld [tilespmem:s19+$0xFFFFFFF0]  }
0x36: {  	v23 =	vld [tilespmem:s19+$0xFFFFFFE0]  }
0x37: {  	v24 =	vld [tilespmem:s19+$0xFFFFFFD0];
	s19 =	smov.u32 s22  }
0x38: {  	v17 =	vld.idx.msk [tilespmem:v17+s11+$0x0], $0xffff  }
0x39: {  	v18 =	vld.idx.msk [tilespmem:v18+s11+$0x0], $0xffff  }
0x3a: {  	v19 =	vld.idx.msk [tilespmem:v19+s11+$0x0], $0xffff  }
0x3b: {  	v20 =	vld.idx.msk [tilespmem:v20+s11+$0x0], $0xffff  }
0x3c: {  	v21 =	vld.idx.msk [tilespmem:v21+s11+$0x0], $0xffff  }
0x3d: {  	v22 =	vld.idx.msk [tilespmem:v22+s11+$0x0], $0xffff  }
0x3e: {  	v23 =	vld.idx.msk [tilespmem:v23+s11+$0x0], $0xffff  }
0x3f: {  	v24 =	vld.idx.msk [tilespmem:v24+s11+$0x0], $0xffff  }
0x40: {  	v16 =	vld.idx.msk [tilespmem:v16+s11+$0x0], $0xffff  }
0x41: {  	v9 =	vld.idx.msk [tilespmem:v9+s11+$0x0], $0xffff  }
0x42: {  	v8 =	vld.idx.msk [tilespmem:v8+s11+$0x0], $0xffff  }
0x43: {  	v7 =	vld.idx.msk [tilespmem:v7+s11+$0x0], $0xffff  }
0x44: {  	v6 =	vld.idx.msk [tilespmem:v6+s11+$0x0], $0xffff  }
0x45: {  	v5 =	vld.idx.msk [tilespmem:v5+s11+$0x0], $0xffff  }
0x46: {  	v4 =	vld.idx.msk [tilespmem:v4+s11+$0x0], $0xffff  }
0x47: {  	v15 =	vld.idx.msk [tilespmem:v15+s11+$0x0], $0xffff  }
0x48: {  	v14 =	vld.idx.msk [tilespmem:v14+s11+$0x0], $0xffff  }
0x49: {  	[tilespmem:s17+$0xFFFFFFA0] =	vst v8  }
0x4a: {  	[tilespmem:s17+$0xFFFFFFB0] =	vst v9  }
0x4b: {  	[tilespmem:s17+$0xFFFFFF80] =	vst v6  }
0x4c: {  	[tilespmem:s17+$0xFFFFFF70] =	vst v5  }
0x4d: {  	[tilespmem:s17+$0xFFFFFF60] =	vst v4  }
0x4e: {  	[tilespmem:s17+$0xFFFFFF50] =	vst v15  }
0x4f: {  	[tilespmem:s17+$0xFFFFFF40] =	vst v14  }
0x50: {  	s25 =	sand.u32 $0x3FF0, s18;
	s18 =	smov.u32 s24;
	[tilespmem:s17+$0xFFFFFF90] =	vst v7  }
0x51: {  	[tilespmem:s25+$0x4F80] =	vst v16  }
0x52: {  	[tilespmem:s17+$0x30] =	vst v18  }
0x53: {  	[tilespmem:s17+$0x20] =	vst v19  }
0x54: {  	s23 =	sadd.s32 s18, s7;
	[tilespmem:s17+$0x10] =	vst v20  }
0x55: {  	s23 =	sand.u32 $0x7FF0, s23;
	[tilespmem:s17+$0x0] =	vst v21  }
0x56: {  	[tilespmem:s17+$0xFFFFFFF0] =	vst v22  }
0x57: {  	[tilespmem:s17+$0xFFFFFFD0] =	vst v24  }
0x58: {  	[tilespmem:s17+$0xFFFFFFE0] =	vst v23  }
0x59: {  	[tilespmem:s25+$0x5000] =	vst v17  }
0x5a: {  	[tilespmem:s17+$0x50] =	vst v13  }
0x5b: {  	[tilespmem:s17+$0x60] =	vst v12  }
0x5c: {  	[tilespmem:s17+$0x90] =	vst v2  }
0x5d: {  	[tilespmem:s17+$0x70] =	vst v11  }
0x5e: {  	[tilespmem:s17+$0xA0] =	vst v1  }
0x5f: {  	[tilespmem:s17+$0xB0] =	vst v3  }
0x60: {  	[tilespmem:s17+$0x80] =	vst v10;
	s17 =	smov.u32 s20  }
0x61: {  	[tilespmem:s25+$0x5080] =	vst v0;
	_ =	sdelay $0x1  }
.Ltmp0:
0x62: {  	(pc) =	sbr.rel @p0 .LBB2_2-.Ltmp0, $4  }
0x63: {  	v1 =	vld [tilespmem:s22+$0xA0]  }
0x64: {  	v2 =	vld [tilespmem:s22+$0x90]  }
0x65: {  	v0 =	vld [tilespmem:s23+$0x180]  }
0x66: {  	v3 =	vld [tilespmem:s22+$0xB0]  }
0x67: {  	v4 =	vld [tilespmem:s19+$0xFFFFFF60]  }
0x68: {  	v5 =	vld [tilespmem:s19+$0xFFFFFF70]  }
0x69: {  	v6 =	vld [tilespmem:s19+$0xFFFFFF80]  }
0x6a: {  	v7 =	vld [tilespmem:s19+$0xFFFFFF90]  }
0x6b: {  	v8 =	vld [tilespmem:s19+$0xFFFFFFA0]  }
0x6c: {  	v9 =	vld [tilespmem:s19+$0xFFFFFFB0]  }
0x6d: {  	v10 =	vld [tilespmem:s19+$0x80]  }
0x6e: {  	v11 =	vld [tilespmem:s19+$0x70]  }
0x6f: {  	v12 =	vld [tilespmem:s19+$0x60]  }
0x70: {  	v13 =	vld [tilespmem:s19+$0x50]  }
0x71: {  	v14 =	vld [tilespmem:s19+$0xFFFFFF40]  }
0x72: {  	v15 =	vld [tilespmem:s19+$0xFFFFFF50]  }
0x73: {  	v16 =	vld [tilespmem:s23+$0x80]  }
0x74: {  	v17 =	vld [tilespmem:s23+$0x100]  }
0x75: {  	v18 =	vld [tilespmem:s19+$0x30]  }
0x76: {  	v19 =	vld [tilespmem:s19+$0x20]  }
0x77: {  	v20 =	vld [tilespmem:s19+$0x10]  }
0x78: {  	v21 =	vld [tilespmem:s19+$0x0]  }
0x79: {  	v22 =	vld [tilespmem:s19+$0xFFFFFFF0]  }
0x7a: {  	v23 =	vld [tilespmem:s19+$0xFFFFFFE0]  }
0x7b: {  	v24 =	vld [tilespmem:s19+$0xFFFFFFD0]  }
0x7c: {  	v1 =	vld.idx.msk [tilespmem:v1+s11+$0x0], $0xffff  }
0x7d: {  	v2 =	vld.idx.msk [tilespmem:v2+s11+$0x0], $0xffff  }
0x7e: {  	v0 =	vld.idx.msk [tilespmem:v0+s11+$0x0], $0xffff  }
0x7f: {  	v3 =	vld.idx.msk [tilespmem:v3+s11+$0x0], $0xffff  }
0x80: {  	v10 =	vld.idx.msk [tilespmem:v10+s11+$0x0], $0xffff  }
0x81: {  	v11 =	vld.idx.msk [tilespmem:v11+s11+$0x0], $0xffff  }
0x82: {  	v12 =	vld.idx.msk [tilespmem:v12+s11+$0x0], $0xffff  }
0x83: {  	v13 =	vld.idx.msk [tilespmem:v13+s11+$0x0], $0xffff  }
0x84: {  	v17 =	vld.idx.msk [tilespmem:v17+s11+$0x0], $0xffff  }
0x85: {  	v18 =	vld.idx.msk [tilespmem:v18+s11+$0x0], $0xffff  }
0x86: {  	v19 =	vld.idx.msk [tilespmem:v19+s11+$0x0], $0xffff  }
0x87: {  	v20 =	vld.idx.msk [tilespmem:v20+s11+$0x0], $0xffff  }
0x88: {  	v21 =	vld.idx.msk [tilespmem:v21+s11+$0x0], $0xffff  }
0x89: {  	v22 =	vld.idx.msk [tilespmem:v22+s11+$0x0], $0xffff  }
0x8a: {  	v23 =	vld.idx.msk [tilespmem:v23+s11+$0x0], $0xffff  }
0x8b: {  	v24 =	vld.idx.msk [tilespmem:v24+s11+$0x0], $0xffff  }
0x8c: {  	v16 =	vld.idx.msk [tilespmem:v16+s11+$0x0], $0xffff  }
0x8d: {  	v9 =	vld.idx.msk [tilespmem:v9+s11+$0x0], $0xffff  }
0x8e: {  	v8 =	vld.idx.msk [tilespmem:v8+s11+$0x0], $0xffff  }
0x8f: {  	v7 =	vld.idx.msk [tilespmem:v7+s11+$0x0], $0xffff  }
0x90: {  	v6 =	vld.idx.msk [tilespmem:v6+s11+$0x0], $0xffff  }
0x91: {  	v5 =	vld.idx.msk [tilespmem:v5+s11+$0x0], $0xffff  }
0x92: {  	v4 =	vld.idx.msk [tilespmem:v4+s11+$0x0], $0xffff  }
0x93: {  	v15 =	vld.idx.msk [tilespmem:v15+s11+$0x0], $0xffff  }
0x94: {  	v14 =	vld.idx.msk [tilespmem:v14+s11+$0x0], $0xffff;
	[tilespmem:s17+$0xFFFFFFA0] =	vst v8  }
0x95: {  	[tilespmem:s17+$0xFFFFFFB0] =	vst v9  }
0x96: {  	[tilespmem:s17+$0xFFFFFF80] =	vst v6  }
0x97: {  	[tilespmem:s17+$0xFFFFFF70] =	vst v5  }
0x98: {  	[tilespmem:s17+$0xFFFFFF60] =	vst v4  }
0x99: {  	[tilespmem:s17+$0xFFFFFF50] =	vst v15  }
0x9a: {  	[tilespmem:s17+$0xFFFFFF40] =	vst v14  }
0x9b: {  	s18 =	sand.u32 $0x3FF0, s18;
	[tilespmem:s17+$0xFFFFFF90] =	vst v7  }
0x9c: {  	[tilespmem:s18+$0x4F80] =	vst v16  }
0x9d: {  	[tilespmem:s17+$0x30] =	vst v18  }
0x9e: {  	[tilespmem:s17+$0x20] =	vst v19  }
0x9f: {  	[tilespmem:s17+$0x10] =	vst v20  }
0xa0: {  	[tilespmem:s17+$0x0] =	vst v21  }
0xa1: {  	[tilespmem:s17+$0xFFFFFFF0] =	vst v22  }
0xa2: {  	[tilespmem:s17+$0xFFFFFFD0] =	vst v24  }
0xa3: {  	[tilespmem:s17+$0xFFFFFFE0] =	vst v23  }
0xa4: {  	[tilespmem:s18+$0x5000] =	vst v17  }
0xa5: {  	[tilespmem:s17+$0x50] =	vst v13  }
0xa6: {  	[tilespmem:s17+$0x60] =	vst v12  }
0xa7: {  	[tilespmem:s17+$0x90] =	vst v2  }
0xa8: {  	[tilespmem:s17+$0x70] =	vst v11  }
0xa9: {  	[tilespmem:s17+$0xA0] =	vst v1  }
0xaa: {  	s16 =	sadd.s32 $0x1, s16;
	[tilespmem:s17+$0xB0] =	vst v3  }
0xab: {  	p0 =	sne.s32 s16, s6;
	[tilespmem:s17+$0x80] =	vst v10  }
.Ltmp1:
0xac: {  	[tilespmem:s18+$0x5080] =	vst v0;
	(pc) =	sbr.rel @p0 .LBB2_1-.Ltmp1, $4  }
0xad: {  	[hbm4b:s5+s2] =	stream.linear.scatter [tilespmem:s14], [sflag:$0x3], $0x2710, $0x38;
	[tilespmem:$0x7680] =	vst v63  }
0xae: {  	_ =	swait.ge [sflag:s15], $0x2710  }
0xaf: {  	[sflag:s15] =	ssyncset.done $0x0  }
0xb0: {  	[sflag:s15] =	ssyncadd.s32 $0xFFFFD8F0  }
0xb1: {  	_ =	sfence.sel $0x180000  }
0xb2: {  	[bflag:$0x0] =	sbarrier.arrive $0xFFFF  }
0xb3: {  	p0 =	sne.s32 s0, $0x0;
	_ =	strace $0x90000047  }
0xb4: {  	s0 =	sadd.s32 @!p0 $0x100000, s1;
	[bflag:$0x2] =	sbarrier.arrive $0xFFFF  }
0xb5: {  	[sflag:s0] =	ssyncadd.tile.s32 @!p0 $0x1;
	_ =	shalt  }
.Lfunc_end2:
_tile_overlayer_lowered:
.L_overlay_start_2:
0xb6: {  	(tag) =	ssettag $0x2  }
0xb7: {  	s0 =	rddreg [dreg:$0x0];
	s2 =	stileid.u32  }
0xb8: {  	s1 =	rddreg [dreg:$0x1];
	p0 =	sne.s32 s2, $0x0  }
0xb9: {  	s3 =	rddreg [dreg:$0x2];
	[bflag:$0x3] =	sbarrier.arrive $0xFFFF;
	s2 =	simm.s32 @!p0 $0x1C03  }
0xba: {  	[timem:s3], [sflag:s2] =	dma.local @!p0 [hbm:s0], s1  }
0xbb: {  	s0 =	simm.s32 @!p0 $0x3  }
0xbc: {  	_ =	swait.ge @!p0 [sflag:s0], s1  }
0xbd: {  	s1 =	ssub.s32 @!p0 $0x0, s1;
	[sflag:s0] =	ssyncset.done @!p0 $0x0  }
0xbe: {  	[sflag:s0] =	ssyncadd.s32 @!p0 s1  }
0xbf: {  	[bflag:$0x3] =	sbarrier.arrive $0xFFFF  }
0xc0: {  	_ =	shalt  }

</sc_bundles>
